<compile_context>
chip_gen: v7x
topology: tpu7x:2x2x1
jax: 0.10.2.dev20260603
libtpu: 0.0.44.dev20260713+nightly
codegen_flags: <defaults>
</compile_context>

<pallas_src>
import functools

import jax
import jax.numpy as jnp
from jax import lax
from jax.experimental import pallas as pl
from jax.experimental.pallas import tpu as pltpu

H = 32
F_E, F_X, F_U, F_OUT = 16, 128, 16, 8
N_NODES, N_EDGES, B = 10000, 320000, 16
N_ROUNDS, N_INNER = 2, 2


def _mlp(params, prefix, x):
    i = 0
    while f"{prefix}_W{i}" in params:
        x = x @ params[f"{prefix}_W{i}"] + params[f"{prefix}_b{i}"]
        if f"{prefix}_W{i + 1}" in params:
            x = jax.nn.relu(x)
        i += 1
    return x


_F32 = jnp.float32
_HI = jax.lax.Precision.HIGHEST


def _edge_block_body(K, R, d_lane_ref, d_col_ref, gb_ref, eh_ref, xh_ref, ce_ref,
                     P_ref, T16_ref, Weh_ref, Wxh_ref, W1a_ref, b1a_ref,
                     W1v_ref, b1v_ref, v_ref, accsum_ref, accmx_ref, pd_ref):
    b = pl.program_id(0)

    @pl.when(b == 0)
    def _init():
        accsum_ref[...] = jnp.zeros_like(accsum_ref)
        accmx_ref[...] = jnp.full_like(accmx_ref, -jnp.inf)

    dd = d_lane_ref[0]
    d0 = d_lane_ref[0, 0, 0]
    dlast = d_lane_ref[0, 0, K - 1]
    w0_init = (d0 // 8) * 8

    def _next_w0(w0):
        rem = jnp.where(dd >= w0 + R, dd, 2 ** 30)
        return (jnp.min(rem) // 8) * 8

    def _cond(w0):
        return w0 <= dlast

    iota_rk = lax.broadcasted_iota(jnp.int32, (R, K), 0)

    pd_ref[...] = jnp.zeros_like(pd_ref)

    def _gather_body(w0):
        M = (iota_rk == (dd - w0)).astype(_F32)
        Pwin = P_ref[pl.ds(w0, R), :]
        pd_ref[...] += lax.dot_general(M, Pwin, (((0,), (0,)), ((), ())),
                                       preferred_element_type=_F32,
                                       precision=_HI)
        return _next_w0(w0)

    lax.while_loop(_cond, _gather_body, w0_init)

    gb = gb_ref[0]
    oh16 = (lax.broadcasted_iota(jnp.int32, (16, K), 0) == gb).astype(_F32)
    tg = lax.dot_general(oh16, T16_ref[...], (((0,), (0,)), ((), ())),
                         preferred_element_type=_F32, precision=_HI)
    h0 = (ce_ref[...] + pd_ref[...] + tg
          + jnp.dot(eh_ref[...], Weh_ref[...], preferred_element_type=_F32,
                    precision=_HI)
          - jnp.dot(xh_ref[...], Wxh_ref[...], preferred_element_type=_F32,
                    precision=_HI))
    h = jnp.maximum(h0, 0.0)
    a = jnp.dot(h[:, :64], W1a_ref[...], preferred_element_type=_F32,
                precision=_HI) + b1a_ref[...]
    v = jnp.dot(h[:, 64:], W1v_ref[...], preferred_element_type=_F32,
                precision=_HI) + b1v_ref[...]
    v_ref[...] = v
    ex = jnp.exp(a)
    y = ex * v
    exy = jnp.concatenate([ex, y], axis=1)

    dcol = d_col_ref[0]
    m = y
    s = 1
    while s < K:
        dm = jnp.concatenate([jnp.full((s, H), -jnp.inf, _F32), m[:-s]], axis=0)
        dsh = jnp.concatenate([jnp.full((s, 1), -1, jnp.int32), dcol[:-s]], axis=0)
        m = jnp.where(dcol == dsh, jnp.maximum(m, dm), m)
        s *= 2
    dnext = jnp.concatenate([dd[:, 1:], jnp.full((1, 1), -5, jnp.int32)], axis=1)
    last = (dd != dnext).astype(_F32)

    def _scatter_body(w0):
        M = (iota_rk == (dd - w0)).astype(_F32)
        sn = jnp.dot(M, exy, preferred_element_type=_F32, precision=_HI)
        accsum_ref[pl.ds(w0, R), :] += sn
        M2 = M * last
        mxv = jnp.dot(M2, m, preferred_element_type=_F32, precision=_HI)
        has = jnp.sum(sn[:, :H], axis=1, keepdims=True) > 0.0
        upd = jnp.where(has, mxv, -jnp.inf)
        accmx_ref[pl.ds(w0, R), :] = jnp.maximum(accmx_ref[pl.ds(w0, R), :], upd)
        return _next_w0(w0)

    lax.while_loop(_cond, _scatter_body, w0_init)


@functools.partial(jax.jit, static_argnames=("E", "N_pad", "K", "R", "interpret"))
def _edge_call(d_lane, d_col, gb3, eh_s, xh_src, ce, P, T16, Weh, Wxh,
               W1a, b1a, W1v, b1v, *, E, N_pad, K, R, interpret=False):
    NB = E // K
    body = functools.partial(_edge_block_body, K, R)
    in_specs = [
            pl.BlockSpec((1, 1, K), lambda b: (b, 0, 0)),
            pl.BlockSpec((1, K, 1), lambda b: (b, 0, 0)),
            pl.BlockSpec((1, 1, K), lambda b: (b, 0, 0)),
            pl.BlockSpec((K, H), lambda b: (b, 0)),
            pl.BlockSpec((K, H), lambda b: (b, 0)),
            pl.BlockSpec((K, 128), lambda b: (b, 0)),
            pl.BlockSpec((N_pad, 128), lambda b: (0, 0)),
            pl.BlockSpec((16, 128), lambda b: (0, 0)),
            pl.BlockSpec((H, 128), lambda b: (0, 0)),
            pl.BlockSpec((H, 128), lambda b: (0, 0)),
            pl.BlockSpec((64, H), lambda b: (0, 0)),
            pl.BlockSpec((1, H), lambda b: (0, 0)),
            pl.BlockSpec((64, H), lambda b: (0, 0)),
            pl.BlockSpec((1, H), lambda b: (0, 0)),
    ]
    out_specs = [
        pl.BlockSpec((K, H), lambda b: (b, 0)),
        pl.BlockSpec((N_pad, 2 * H), lambda b: (0, 0)),
        pl.BlockSpec((N_pad, H), lambda b: (0, 0)),
    ]
    return pl.pallas_call(
        body,
        grid=(NB,),
        in_specs=in_specs,
        out_specs=out_specs,
        out_shape=[
            jax.ShapeDtypeStruct((E, H), _F32),
            jax.ShapeDtypeStruct((N_pad, 2 * H), _F32),
            jax.ShapeDtypeStruct((N_pad, H), _F32),
        ],
        scratch_shapes=[pltpu.VMEM((K, 128), _F32)],
        interpret=interpret,
    )(d_lane, d_col, gb3, eh_s, xh_src, ce, P, T16, Weh, Wxh, W1a, b1a, W1v, b1v)


from jax.experimental.pallas import tpu_sc as plsc


@functools.partial(jax.jit, static_argnames=("D", "C"))
def _sc_gather(table, idx, *, D, C):
    E = idx.shape[0]
    NC, NS = 2, 16
    NW = NC * NS
    per_w = E // NW
    S = per_w // C
    mesh = plsc.VectorSubcoreMesh(core_axis_name="c", subcore_axis_name="s")

    @functools.partial(
        pl.kernel, mesh=mesh,
        out_type=jax.ShapeDtypeStruct((E, D), jnp.float32),
        compiler_params=pltpu.CompilerParams(use_tc_tiling_on_sc=False),
        scratch_types=[
            pltpu.VMEM((C,), jnp.int32),
            pltpu.VMEM((C, D), jnp.float32),
            pltpu.SemaphoreType.DMA,
        ],
    )
    def k(table_hbm, idx_hbm, out_hbm, idx_v, rows_v, sem):
        wid = lax.axis_index("s") * NC + lax.axis_index("c")
        for j in range(S):
            base = wid * per_w + j * C
            pltpu.sync_copy(idx_hbm.at[pl.ds(base, C)], idx_v)
            pltpu.async_copy(table_hbm.at[idx_v], rows_v, sem).wait()
            pltpu.sync_copy(rows_v, out_hbm.at[pl.ds(base, C)])

    return k(table, idx)


_K_E = 2560
_R_W = 128
_N_PAD = 10240


def _attention_fast(aw, x, x_h, shared, batch, src, dest, gb_src, e_h_s, Ce, u, u_h,
                    blk):
    n = x.shape[0]
    sh_b = shared[batch]
    x_cat_var = jnp.concatenate([x_h, sh_b], axis=1)
    P = x @ aw["W0_x"] + x_cat_var @ aw["W0_xvar"]
    P_pad = jnp.pad(P, ((0, _N_PAD - n), (0, 0)))
    u_cat = jnp.concatenate([u, u_h, shared], axis=1)
    T16 = (shared @ aw["W0_esh"] + u_cat @ aw["W0_u"]
           - shared @ aw["W0_xsh"] + aw["b0"][None, :])
    xh_src = _sc_gather(x_h, src, D=32, C=2000)
    d_lane, d_col, gb3 = blk
    v, accsum, accmx = _edge_call(
        d_lane, d_col, gb3, e_h_s, xh_src, Ce, P_pad, T16,
        aw["W0_eh"], aw["W0_xh"], aw["W1_a"], aw["b1_a"], aw["W1_v"], aw["b1_v"],
        E=N_EDGES, N_pad=_N_PAD, K=_K_E, R=_R_W)
    s = accsum[:n, :H]
    num = accsum[:n, H:]
    mx = accmx[:n]
    agg_sum = num / (s + 1e-16)
    agg_max = jnp.where(jnp.isneginf(mx), 0.0, mx / (s + 1e-16))
    node_in = jnp.concatenate([x, x_h, sh_b, agg_sum, agg_max, u_cat[batch]], axis=1)
    x_h_new = _mlp(aw["params"], "node", node_in)
    cnt = jnp.maximum(jax.ops.segment_sum(jnp.ones((n,), jnp.float32), batch, num_segments=B), 1.0)
    g_sum = jax.ops.segment_sum(x_h_new, batch, num_segments=B)
    g_max = jax.ops.segment_max(x_h_new, batch, num_segments=B)
    g_max = jnp.where(jnp.isneginf(g_max), 0.0, g_max)
    u_h_new = _mlp(aw["params"], "glob", jnp.concatenate([g_sum / cnt[:, None], g_max, u_cat], axis=1))
    return x_h_new, v, u_h_new


def kernel(x1, edge_index1, e1, u1, batch1, x2, edge_index2, e2, u2, batch2, params):
    with jax.default_matmul_precision("highest"):
        return _kernel_impl(x1, edge_index1, e1, u1, batch1,
                            x2, edge_index2, e2, u2, batch2, params)


def _kernel_impl(x1, edge_index1, e1, u1, batch1, x2, edge_index2, e2, u2, batch2, params):
    fx = F_X + 2 * H
    W0 = jnp.concatenate([params["att_a_W0"], params["att_v_W0"]], axis=1)
    aw = {
        "params": params,
        "W0_x": W0[:F_X],
        "W0_xvar": W0[F_X:fx],
        "W0_xh": W0[F_X:F_X + H],
        "W0_xsh": W0[F_X + H:fx],
        "W0_e": W0[fx:fx + F_E],
        "W0_eh": W0[fx + F_E:fx + F_E + H],
        "W0_esh": W0[fx + F_E + H:fx + F_E + 2 * H],
        "W0_u": W0[fx + F_E + 2 * H:],
        "b0": jnp.concatenate([params["att_a_b0"], params["att_v_b0"]]),
        "W1_a": params["att_a_W1"], "b1_a": params["att_a_b1"].reshape(1, H),
        "W1_v": params["att_v_W1"], "b1_v": params["att_v_b1"].reshape(1, H),
    }

    def prep_graph(x, edge_index, e, batch):
        src, dest = edge_index[0], edge_index[1]
        perm = jnp.argsort(dest)
        src_s, dest_s = src[perm], dest[perm]
        e_s = _sc_gather(e, perm, D=16, C=2000)
        gb_src = batch[src_s]
        Px = x @ aw["W0_x"]
        Px_s = _sc_gather(Px, src_s, D=128, C=1000)
        Ce = e_s @ aw["W0_e"] - Px_s
        nb = N_EDGES // _K_E
        blk = (dest_s.reshape(nb, 1, _K_E), dest_s.reshape(nb, _K_E, 1),
               gb_src.reshape(nb, 1, _K_E))
        return src_s, dest_s, e_s, gb_src, Ce, blk

    g1 = prep_graph(x1, edge_index1, e1, batch1)
    g2 = prep_graph(x2, edge_index2, e2, batch2)

    x1h = _mlp(params, "enc_x", x1)
    x2h = _mlp(params, "enc_x", x2)
    e1h = _mlp(params, "enc_e", g1[2])
    e2h = _mlp(params, "enc_e", g2[2])
    u1h = _mlp(params, "enc_u", u1)
    u2h = _mlp(params, "enc_u", u2)

    outs = []
    for _ in range(N_ROUNDS):
        for _ in range(N_INNER):
            x1h, e1h, u1h = _attention_fast(aw, x1, x1h, u2h, batch1,
                                            g1[0], g1[1], g1[3], e1h, g1[4], u1, u1h,
                                            g1[5])
        for _ in range(N_INNER):
            x2h, e2h, u2h = _attention_fast(aw, x2, x2h, u1h, batch2,
                                            g2[0], g2[1], g2[3], e2h, g2[4], u2, u2h,
                                            g2[5])
        outs.append(_mlp(params, "dec", u2h))
    return jnp.stack(outs)

# --- scband reference (transcript-rebuilt; emitter-appended) ---
"""Pipeline reference for scband-alternating-25915832664873 (READ-ONLY COPY).

The authoritative reference and input builder live on the scoring server;
editing this copy changes nothing except your own understanding.
"""

import jax, jax.numpy as jnp
import numpy as np

H = 32
F_E, F_X, F_U, F_OUT = 16, 128, 16, 8
N_NODES, N_EDGES, B = 10000, 320000, 16
N_ROUNDS, N_INNER = 2, 2


def _mk_mlp(rng, params, prefix, f_in, f_out, hidden=(64,)):
    dims = [f_in] + list(hidden) + [f_out]
    for i in range(len(dims) - 1):
        params[f"{prefix}_W{i}"] = jnp.asarray(rng.normal(0.0, (2.0 / dims[i]) ** 0.5, (dims[i], dims[i + 1])).astype(np.float32))
        params[f"{prefix}_b{i}"] = jnp.zeros((dims[i + 1],), jnp.float32)


def setup_inputs(seed: int = 0):
    key = jax.random.key(seed)
    ks = jax.random.split(key, 10)
    inp = {}
    inp["x1"] = jax.random.normal(ks[0], (N_NODES, F_X), jnp.float32)
    inp["edge_index1"] = jax.random.randint(ks[1], (2, N_EDGES), 0, N_NODES, jnp.int32)
    inp["e1"] = jax.random.normal(ks[2], (N_EDGES, F_E), jnp.float32)
    inp["u1"] = jax.random.normal(ks[3], (B, F_U), jnp.float32)
    inp["batch1"] = jnp.sort(jax.random.randint(ks[4], (N_NODES,), 0, B, jnp.int32))
    inp["x2"] = jax.random.normal(ks[5], (N_NODES, F_X), jnp.float32)
    inp["edge_index2"] = jax.random.randint(ks[6], (2, N_EDGES), 0, N_NODES, jnp.int32)
    inp["e2"] = jax.random.normal(ks[7], (N_EDGES, F_E), jnp.float32)
    inp["u2"] = jax.random.normal(ks[8], (B, F_U), jnp.float32)
    inp["batch2"] = jnp.sort(jax.random.randint(ks[9], (N_NODES,), 0, B, jnp.int32))
    params = {}
    rng = np.random.default_rng(0)
    fe, fx, fu = F_E + 2 * H, F_X + 2 * H, F_U + 2 * H
    _mk_mlp(rng, params, "enc_x", F_X, H)
    _mk_mlp(rng, params, "enc_e", F_E, H)
    _mk_mlp(rng, params, "enc_u", F_U, H)
    _mk_mlp(rng, params, "att_a", fx + fe + fu, H)
    _mk_mlp(rng, params, "att_v", fx + fe + fu, H)
    _mk_mlp(rng, params, "node", fx + 2 * H + fu, H)
    _mk_mlp(rng, params, "glob", 2 * H + fu, H)
    _mk_mlp(rng, params, "dec", H, F_OUT)
    inp["params"] = params
    return inp


def _mlp(params, prefix, x):
    i = 0
    while f"{prefix}_W{i}" in params:
        x = x @ params[f"{prefix}_W{i}"] + params[f"{prefix}_b{i}"]
        if f"{prefix}_W{i + 1}" in params:
            x = jax.nn.relu(x)
        i += 1
    return x


def _seg_softmax(scores, seg, num):
    m = jax.ops.segment_max(scores, seg, num_segments=num)
    m = jnp.where(jnp.isneginf(m), 0.0, m)
    ex = jnp.exp(scores - m[seg])
    s = jax.ops.segment_sum(ex, seg, num_segments=num)
    return ex / (s[seg] + 1e-16)


def _attention(params, x_cat, edge_index, e_cat, u_cat, batch):
    src, dest = edge_index[0], edge_index[1]
    n_nodes = x_cat.shape[0]
    n_graphs = u_cat.shape[0]
    edge_in = jnp.concatenate([x_cat[dest] - x_cat[src], e_cat, u_cat[batch[src]]], axis=1)
    a = _mlp(params, "att_a", edge_in)
    v = _mlp(params, "att_v", edge_in)
    attn = _seg_softmax(a, dest, n_nodes)
    msg = attn * v
    agg_sum = jax.ops.segment_sum(msg, dest, num_segments=n_nodes)
    agg_max = jax.ops.segment_max(msg, dest, num_segments=n_nodes)
    agg_max = jnp.where(jnp.isneginf(agg_max), 0.0, agg_max)
    e_h = v
    x_h = _mlp(params, "node", jnp.concatenate([x_cat, agg_sum, agg_max, u_cat[batch]], axis=1))
    cnt = jnp.maximum(jax.ops.segment_sum(jnp.ones((n_nodes,), jnp.float32), batch, num_segments=n_graphs), 1.0)
    g_mean = jax.ops.segment_sum(x_h, batch, num_segments=n_graphs) / cnt[:, None]
    g_max = jax.ops.segment_max(x_h, batch, num_segments=n_graphs)
    g_max = jnp.where(jnp.isneginf(g_max), 0.0, g_max)
    u_h = _mlp(params, "glob", jnp.concatenate([g_mean, g_max, u_cat], axis=1))
    return x_h, e_h, u_h


def reference(x1, edge_index1, e1, u1, batch1, x2, edge_index2, e2, u2, batch2, params):
    def encode(x, e, u):
        return _mlp(params, "enc_x", x), _mlp(params, "enc_e", e), _mlp(params, "enc_u", u)

    def processing(x, x_h, edge_index, e, e_h, u, u_h, batch, shared):
        src = edge_index[0]
        for _ in range(N_INNER):
            x_cat = jnp.concatenate([x, x_h, shared[batch]], axis=1)
            e_cat = jnp.concatenate([e, e_h, shared[batch[src]]], axis=1)
            u_cat = jnp.concatenate([u, u_h, shared], axis=1)
            x_h, e_h, u_h = _attention(params, x_cat, edge_index, e_cat, u_cat, batch)
        return x_h, e_h, u_h

    x1h, e1h, u1h = encode(x1, e1, u1)
    x2h, e2h, u2h = encode(x2, e2, u2)
    outs = []
    for _ in range(N_ROUNDS):
        x1h, e1h, u1h = processing(x1, x1h, edge_index1, e1, e1h, u1, u1h, batch1, u2h)
        x2h, e2h, u2h = processing(x2, x2h, edge_index2, e2, e2h, u2, u2h, batch2, u1h)
        outs.append(_mlp(params, "dec", u2h))
    return jnp.stack(outs)

if __name__ == "__main__":
    import jax
    _d = setup_inputs()
    print(jax.jit(kernel)(*tuple(_d.values())))

</pallas_src>

<mosaic_0001>
#map = affine_map<(d0, d1) -> (0, 0)>
#map1 = affine_map<(d0, d1) -> (0)>
module attributes {stable_mosaic.version = 14 : i64} {
  func.func @k(%arg0: i32, %arg1: i32, %arg2: memref<320000x16xf32, #tpu.memory_space<hbm>>, %arg3: memref<320000xi32, #tpu.memory_space<hbm>>, %arg4: memref<320000x16xf32, #tpu.memory_space<hbm>>, %arg5: memref<2000xi32, #tpu.memory_space<vmem>>, %arg6: memref<2000x16xf32, #tpu.memory_space<vmem>>, %arg7: memref<!tpu.dma_semaphore, #tpu.memory_space<semaphore_mem>>) attributes {dimension_semantics = [#tpu.dimension_semantics<core_parallel>, #tpu.dimension_semantics<subcore_parallel>], iteration_bounds = array<i64: 2, 16>, scalar_prefetch = 0 : i64, scratch_operands = 3 : i64, tpu.core_type = #tpu.core_type<sc_vector_subcore>, window_params = [{transform_indices = #map}, {transform_indices = #map1}, {transform_indices = #map}]} {
    %mul3A = arith.constant 2 : i32
    %mul3A_0 = arith.muli %arg1, %mul3A : i32
    %add3A = arith.addi %mul3A_0, %arg0 : i32
    %mul3A_1 = arith.constant 10000 : i32
    %mul3A_2 = arith.muli %add3A, %mul3A_1 : i32
    %add3A_3 = arith.constant 0 : i32
    %add3A_4 = arith.addi %mul3A_2, %add3A_3 : i32
    "tpu.region"() ({
      %run_scoped3A = tpu.sem_alloc : memref<!tpu.dma_semaphore, #tpu.memory_space<semaphore_mem>>
      %dma_start3A_49 = tpu.memref_slice %arg3[%add3A_4] : memref<320000xi32, #tpu.memory_space<hbm>> -> memref<2000xi32, #tpu.memory_space<hbm>>
      %dma_start3A_50 = tpu.memref_slice %arg3[%add3A_4] : memref<320000xi32, #tpu.memory_space<hbm>> -> memref<2000xi32, #tpu.memory_space<hbm>>
      tpu.enqueue_dma source(%dma_start3A_50 : memref<2000xi32, #tpu.memory_space<hbm>>) target(%arg5 : memref<2000xi32, #tpu.memory_space<vmem>>) target_semaphore(%run_scoped3A : memref<!tpu.dma_semaphore, #tpu.memory_space<semaphore_mem>>)
      %dma_wait3A_51 = tpu.memref_slice %arg3[%add3A_4] : memref<320000xi32, #tpu.memory_space<hbm>> -> memref<2000xi32, #tpu.memory_space<hbm>>
      %dma_wait3A_52 = tpu.memref_slice %arg3[%add3A_4] : memref<320000xi32, #tpu.memory_space<hbm>> -> memref<2000xi32, #tpu.memory_space<hbm>>
      tpu.wait_dma2 semaphore(%run_scoped3A : memref<!tpu.dma_semaphore, #tpu.memory_space<semaphore_mem>>) src(%dma_wait3A_52 : memref<2000xi32, #tpu.memory_space<hbm>>) dst(%arg5 : memref<2000xi32, #tpu.memory_space<vmem>>)
      tpu.yield
    }) : () -> ()
    %dma_start3A = arith.constant 0 : i32
    %dma_start3A_5 = arith.constant 0 : i32
    %dma_start3A_6 = tpu.memref_slice %arg2[%dma_start3A, %dma_start3A_5] : memref<320000x16xf32, #tpu.memory_space<hbm>> -> memref<320000x16xf32, #tpu.memory_space<hbm>>
    tpu.enqueue_indirect_dma source(%dma_start3A_6 : memref<320000x16xf32, #tpu.memory_space<hbm>>) target(%arg6 : memref<2000x16xf32, #tpu.memory_space<vmem>>) offsets(%arg5 : memref<2000xi32, #tpu.memory_space<vmem>>) semaphore(%arg7 : memref<!tpu.dma_semaphore, #tpu.memory_space<semaphore_mem>>)
    %dma_wait3A = arith.constant 0 : i32
    %dma_wait3A_7 = arith.constant 0 : i32
    %dma_wait3A_8 = tpu.memref_slice %arg2[%dma_wait3A, %dma_wait3A_7] : memref<320000x16xf32, #tpu.memory_space<hbm>> -> memref<320000x16xf32, #tpu.memory_space<hbm>>
    tpu.wait_indirect_dma semaphore(%arg7 : memref<!tpu.dma_semaphore, #tpu.memory_space<semaphore_mem>>) src(%dma_wait3A_8 : memref<320000x16xf32, #tpu.memory_space<hbm>>) dst(%arg6 : memref<2000x16xf32, #tpu.memory_space<vmem>>)
    "tpu.region"() ({
      %run_scoped3A = tpu.sem_alloc : memref<!tpu.dma_semaphore, #tpu.memory_space<semaphore_mem>>
      %dma_start3A_49 = arith.constant 0 : i32
      %dma_start3A_50 = tpu.memref_slice %arg4[%add3A_4, %dma_start3A_49] : memref<320000x16xf32, #tpu.memory_space<hbm>> -> memref<2000x16xf32, #tpu.memory_space<hbm>>
      %dma_start3A_51 = arith.constant 0 : i32
      %dma_start3A_52 = tpu.memref_slice %arg4[%add3A_4, %dma_start3A_51] : memref<320000x16xf32, #tpu.memory_space<hbm>> -> memref<2000x16xf32, #tpu.memory_space<hbm>>
      tpu.enqueue_dma source(%arg6 : memref<2000x16xf32, #tpu.memory_space<vmem>>) target(%dma_start3A_52 : memref<2000x16xf32, #tpu.memory_space<hbm>>) target_semaphore(%run_scoped3A : memref<!tpu.dma_semaphore, #tpu.memory_space<semaphore_mem>>)
      %dma_wait3A_53 = arith.constant 0 : i32
      %dma_wait3A_54 = tpu.memref_slice %arg4[%add3A_4, %dma_wait3A_53] : memref<320000x16xf32, #tpu.memory_space<hbm>> -> memref<2000x16xf32, #tpu.memory_space<hbm>>
      %dma_wait3A_55 = arith.constant 0 : i32
      %dma_wait3A_56 = tpu.memref_slice %arg4[%add3A_4, %dma_wait3A_55] : memref<320000x16xf32, #tpu.memory_space<hbm>> -> memref<2000x16xf32, #tpu.memory_space<hbm>>
      tpu.wait_dma2 semaphore(%run_scoped3A : memref<!tpu.dma_semaphore, #tpu.memory_space<semaphore_mem>>) src(%arg6 : memref<2000x16xf32, #tpu.memory_space<vmem>>) dst(%dma_wait3A_56 : memref<2000x16xf32, #tpu.memory_space<hbm>>)
      tpu.yield
    }) : () -> ()
    %mul3A_9 = arith.constant 10000 : i32
    %mul3A_10 = arith.muli %add3A, %mul3A_9 : i32
    %add3A_11 = arith.constant 2000 : i32
    %add3A_12 = arith.addi %mul3A_10, %add3A_11 : i32
    "tpu.region"() ({
      %run_scoped3A = tpu.sem_alloc : memref<!tpu.dma_semaphore, #tpu.memory_space<semaphore_mem>>
      %dma_start3A_49 = tpu.memref_slice %arg3[%add3A_12] : memref<320000xi32, #tpu.memory_space<hbm>> -> memref<2000xi32, #tpu.memory_space<hbm>>
      %dma_start3A_50 = tpu.memref_slice %arg3[%add3A_12] : memref<320000xi32, #tpu.memory_space<hbm>> -> memref<2000xi32, #tpu.memory_space<hbm>>
      tpu.enqueue_dma source(%dma_start3A_50 : memref<2000xi32, #tpu.memory_space<hbm>>) target(%arg5 : memref<2000xi32, #tpu.memory_space<vmem>>) target_semaphore(%run_scoped3A : memref<!tpu.dma_semaphore, #tpu.memory_space<semaphore_mem>>)
      %dma_wait3A_51 = tpu.memref_slice %arg3[%add3A_12] : memref<320000xi32, #tpu.memory_space<hbm>> -> memref<2000xi32, #tpu.memory_space<hbm>>
      %dma_wait3A_52 = tpu.memref_slice %arg3[%add3A_12] : memref<320000xi32, #tpu.memory_space<hbm>> -> memref<2000xi32, #tpu.memory_space<hbm>>
      tpu.wait_dma2 semaphore(%run_scoped3A : memref<!tpu.dma_semaphore, #tpu.memory_space<semaphore_mem>>) src(%dma_wait3A_52 : memref<2000xi32, #tpu.memory_space<hbm>>) dst(%arg5 : memref<2000xi32, #tpu.memory_space<vmem>>)
      tpu.yield
    }) : () -> ()
    %dma_start3A_13 = arith.constant 0 : i32
    %dma_start3A_14 = arith.constant 0 : i32
    %dma_start3A_15 = tpu.memref_slice %arg2[%dma_start3A_13, %dma_start3A_14] : memref<320000x16xf32, #tpu.memory_space<hbm>> -> memref<320000x16xf32, #tpu.memory_space<hbm>>
    tpu.enqueue_indirect_dma source(%dma_start3A_15 : memref<320000x16xf32, #tpu.memory_space<hbm>>) target(%arg6 : memref<2000x16xf32, #tpu.memory_space<vmem>>) offsets(%arg5 : memref<2000xi32, #tpu.memory_space<vmem>>) semaphore(%arg7 : memref<!tpu.dma_semaphore, #tpu.memory_space<semaphore_mem>>)
    %dma_wait3A_16 = arith.constant 0 : i32
    %dma_wait3A_17 = arith.constant 0 : i32
    %dma_wait3A_18 = tpu.memref_slice %arg2[%dma_wait3A_16, %dma_wait3A_17] : memref<320000x16xf32, #tpu.memory_space<hbm>> -> memref<320000x16xf32, #tpu.memory_space<hbm>>
    tpu.wait_indirect_dma semaphore(%arg7 : memref<!tpu.dma_semaphore, #tpu.memory_space<semaphore_mem>>) src(%dma_wait3A_18 : memref<320000x16xf32, #tpu.memory_space<hbm>>) dst(%arg6 : memref<2000x16xf32, #tpu.memory_space<vmem>>)
    "tpu.region"() ({
      %run_scoped3A = tpu.sem_alloc : memref<!tpu.dma_semaphore, #tpu.memory_space<semaphore_mem>>
      %dma_start3A_49 = arith.constant 0 : i32
      %dma_start3A_50 = tpu.memref_slice %arg4[%add3A_12, %dma_start3A_49] : memref<320000x16xf32, #tpu.memory_space<hbm>> -> memref<2000x16xf32, #tpu.memory_space<hbm>>
      %dma_start3A_51 = arith.constant 0 : i32
      %dma_start3A_52 = tpu.memref_slice %arg4[%add3A_12, %dma_start3A_51] : memref<320000x16xf32, #tpu.memory_space<hbm>> -> memref<2000x16xf32, #tpu.memory_space<hbm>>
      tpu.enqueue_dma source(%arg6 : memref<2000x16xf32, #tpu.memory_space<vmem>>) target(%dma_start3A_52 : memref<2000x16xf32, #tpu.memory_space<hbm>>) target_semaphore(%run_scoped3A : memref<!tpu.dma_semaphore, #tpu.memory_space<semaphore_mem>>)
      %dma_wait3A_53 = arith.constant 0 : i32
      %dma_wait3A_54 = tpu.memref_slice %arg4[%add3A_12, %dma_wait3A_53] : memref<320000x16xf32, #tpu.memory_space<hbm>> -> memref<2000x16xf32, #tpu.memory_space<hbm>>
      %dma_wait3A_55 = arith.constant 0 : i32
      %dma_wait3A_56 = tpu.memref_slice %arg4[%add3A_12, %dma_wait3A_55] : memref<320000x16xf32, #tpu.memory_space<hbm>> -> memref<2000x16xf32, #tpu.memory_space<hbm>>
      tpu.wait_dma2 semaphore(%run_scoped3A : memref<!tpu.dma_semaphore, #tpu.memory_space<semaphore_mem>>) src(%arg6 : memref<2000x16xf32, #tpu.memory_space<vmem>>) dst(%dma_wait3A_56 : memref<2000x16xf32, #tpu.memory_space<hbm>>)
      tpu.yield
    }) : () -> ()
    %mul3A_19 = arith.constant 10000 : i32
    %mul3A_20 = arith.muli %add3A, %mul3A_19 : i32
    %add3A_21 = arith.constant 4000 : i32
    %add3A_22 = arith.addi %mul3A_20, %add3A_21 : i32
    "tpu.region"() ({
      %run_scoped3A = tpu.sem_alloc : memref<!tpu.dma_semaphore, #tpu.memory_space<semaphore_mem>>
      %dma_start3A_49 = tpu.memref_slice %arg3[%add3A_22] : memref<320000xi32, #tpu.memory_space<hbm>> -> memref<2000xi32, #tpu.memory_space<hbm>>
      %dma_start3A_50 = tpu.memref_slice %arg3[%add3A_22] : memref<320000xi32, #tpu.memory_space<hbm>> -> memref<2000xi32, #tpu.memory_space<hbm>>
      tpu.enqueue_dma source(%dma_start3A_50 : memref<2000xi32, #tpu.memory_space<hbm>>) target(%arg5 : memref<2000xi32, #tpu.memory_space<vmem>>) target_semaphore(%run_scoped3A : memref<!tpu.dma_semaphore, #tpu.memory_space<semaphore_mem>>)
      %dma_wait3A_51 = tpu.memref_slice %arg3[%add3A_22] : memref<320000xi32, #tpu.memory_space<hbm>> -> memref<2000xi32, #tpu.memory_space<hbm>>
      %dma_wait3A_52 = tpu.memref_slice %arg3[%add3A_22] : memref<320000xi32, #tpu.memory_space<hbm>> -> memref<2000xi32, #tpu.memory_space<hbm>>
      tpu.wait_dma2 semaphore(%run_scoped3A : memref<!tpu.dma_semaphore, #tpu.memory_space<semaphore_mem>>) src(%dma_wait3A_52 : memref<2000xi32, #tpu.memory_space<hbm>>) dst(%arg5 : memref<2000xi32, #tpu.memory_space<vmem>>)
      tpu.yield
    }) : () -> ()
    %dma_start3A_23 = arith.constant 0 : i32
    %dma_start3A_24 = arith.constant 0 : i32
    %dma_start3A_25 = tpu.memref_slice %arg2[%dma_start3A_23, %dma_start3A_24] : memref<320000x16xf32, #tpu.memory_space<hbm>> -> memref<320000x16xf32, #tpu.memory_space<hbm>>
    tpu.enqueue_indirect_dma source(%dma_start3A_25 : memref<320000x16xf32, #tpu.memory_space<hbm>>) target(%arg6 : memref<2000x16xf32, #tpu.memory_space<vmem>>) offsets(%arg5 : memref<2000xi32, #tpu.memory_space<vmem>>) semaphore(%arg7 : memref<!tpu.dma_semaphore, #tpu.memory_space<semaphore_mem>>)
    %dma_wait3A_26 = arith.constant 0 : i32
    %dma_wait3A_27 = arith.constant 0 : i32
    %dma_wait3A_28 = tpu.memref_slice %arg2[%dma_wait3A_26, %dma_wait3A_27] : memref<320000x16xf32, #tpu.memory_space<hbm>> -> memref<320000x16xf32, #tpu.memory_space<hbm>>
    tpu.wait_indirect_dma semaphore(%arg7 : memref<!tpu.dma_semaphore, #tpu.memory_space<semaphore_mem>>) src(%dma_wait3A_28 : memref<320000x16xf32, #tpu.memory_space<hbm>>) dst(%arg6 : memref<2000x16xf32, #tpu.memory_space<vmem>>)
    "tpu.region"() ({
      %run_scoped3A = tpu.sem_alloc : memref<!tpu.dma_semaphore, #tpu.memory_space<semaphore_mem>>
      %dma_start3A_49 = arith.constant 0 : i32
      %dma_start3A_50 = tpu.memref_slice %arg4[%add3A_22, %dma_start3A_49] : memref<320000x16xf32, #tpu.memory_space<hbm>> -> memref<2000x16xf32, #tpu.memory_space<hbm>>
      %dma_start3A_51 = arith.constant 0 : i32
      %dma_start3A_52 = tpu.memref_slice %arg4[%add3A_22, %dma_start3A_51] : memref<320000x16xf32, #tpu.memory_space<hbm>> -> memref<2000x16xf32, #tpu.memory_space<hbm>>
      tpu.enqueue_dma source(%arg6 : memref<2000x16xf32, #tpu.memory_space<vmem>>) target(%dma_start3A_52 : memref<2000x16xf32, #tpu.memory_space<hbm>>) target_semaphore(%run_scoped3A : memref<!tpu.dma_semaphore, #tpu.memory_space<semaphore_mem>>)
      %dma_wait3A_53 = arith.constant 0 : i32
      %dma_wait3A_54 = tpu.memref_slice %arg4[%add3A_22, %dma_wait3A_53] : memref<320000x16xf32, #tpu.memory_space<hbm>> -> memref<2000x16xf32, #tpu.memory_space<hbm>>
      %dma_wait3A_55 = arith.constant 0 : i32
      %dma_wait3A_56 = tpu.memref_slice %arg4[%add3A_22, %dma_wait3A_55] : memref<320000x16xf32, #tpu.memory_space<hbm>> -> memref<2000x16xf32, #tpu.memory_space<hbm>>
      tpu.wait_dma2 semaphore(%run_scoped3A : memref<!tpu.dma_semaphore, #tpu.memory_space<semaphore_mem>>) src(%arg6 : memref<2000x16xf32, #tpu.memory_space<vmem>>) dst(%dma_wait3A_56 : memref<2000x16xf32, #tpu.memory_space<hbm>>)
      tpu.yield
    }) : () -> ()
    %mul3A_29 = arith.constant 10000 : i32
    %mul3A_30 = arith.muli %add3A, %mul3A_29 : i32
    %add3A_31 = arith.constant 6000 : i32
    %add3A_32 = arith.addi %mul3A_30, %add3A_31 : i32
    "tpu.region"() ({
      %run_scoped3A = tpu.sem_alloc : memref<!tpu.dma_semaphore, #tpu.memory_space<semaphore_mem>>
      %dma_start3A_49 = tpu.memref_slice %arg3[%add3A_32] : memref<320000xi32, #tpu.memory_space<hbm>> -> memref<2000xi32, #tpu.memory_space<hbm>>
      %dma_start3A_50 = tpu.memref_slice %arg3[%add3A_32] : memref<320000xi32, #tpu.memory_space<hbm>> -> memref<2000xi32, #tpu.memory_space<hbm>>
      tpu.enqueue_dma source(%dma_start3A_50 : memref<2000xi32, #tpu.memory_space<hbm>>) target(%arg5 : memref<2000xi32, #tpu.memory_space<vmem>>) target_semaphore(%run_scoped3A : memref<!tpu.dma_semaphore, #tpu.memory_space<semaphore_mem>>)
      %dma_wait3A_51 = tpu.memref_slice %arg3[%add3A_32] : memref<320000xi32, #tpu.memory_space<hbm>> -> memref<2000xi32, #tpu.memory_space<hbm>>
      %dma_wait3A_52 = tpu.memref_slice %arg3[%add3A_32] : memref<320000xi32, #tpu.memory_space<hbm>> -> memref<2000xi32, #tpu.memory_space<hbm>>
      tpu.wait_dma2 semaphore(%run_scoped3A : memref<!tpu.dma_semaphore, #tpu.memory_space<semaphore_mem>>) src(%dma_wait3A_52 : memref<2000xi32, #tpu.memory_space<hbm>>) dst(%arg5 : memref<2000xi32, #tpu.memory_space<vmem>>)
      tpu.yield
    }) : () -> ()
    %dma_start3A_33 = arith.constant 0 : i32
    %dma_start3A_34 = arith.constant 0 : i32
    %dma_start3A_35 = tpu.memref_slice %arg2[%dma_start3A_33, %dma_start3A_34] : memref<320000x16xf32, #tpu.memory_space<hbm>> -> memref<320000x16xf32, #tpu.memory_space<hbm>>
    tpu.enqueue_indirect_dma source(%dma_start3A_35 : memref<320000x16xf32, #tpu.memory_space<hbm>>) target(%arg6 : memref<2000x16xf32, #tpu.memory_space<vmem>>) offsets(%arg5 : memref<2000xi32, #tpu.memory_space<vmem>>) semaphore(%arg7 : memref<!tpu.dma_semaphore, #tpu.memory_space<semaphore_mem>>)
    %dma_wait3A_36 = arith.constant 0 : i32
    %dma_wait3A_37 = arith.constant 0 : i32
    %dma_wait3A_38 = tpu.memref_slice %arg2[%dma_wait3A_36, %dma_wait3A_37] : memref<320000x16xf32, #tpu.memory_space<hbm>> -> memref<320000x16xf32, #tpu.memory_space<hbm>>
    tpu.wait_indirect_dma semaphore(%arg7 : memref<!tpu.dma_semaphore, #tpu.memory_space<semaphore_mem>>) src(%dma_wait3A_38 : memref<320000x16xf32, #tpu.memory_space<hbm>>) dst(%arg6 : memref<2000x16xf32, #tpu.memory_space<vmem>>)
    "tpu.region"() ({
      %run_scoped3A = tpu.sem_alloc : memref<!tpu.dma_semaphore, #tpu.memory_space<semaphore_mem>>
      %dma_start3A_49 = arith.constant 0 : i32
      %dma_start3A_50 = tpu.memref_slice %arg4[%add3A_32, %dma_start3A_49] : memref<320000x16xf32, #tpu.memory_space<hbm>> -> memref<2000x16xf32, #tpu.memory_space<hbm>>
      %dma_start3A_51 = arith.constant 0 : i32
      %dma_start3A_52 = tpu.memref_slice %arg4[%add3A_32, %dma_start3A_51] : memref<320000x16xf32, #tpu.memory_space<hbm>> -> memref<2000x16xf32, #tpu.memory_space<hbm>>
      tpu.enqueue_dma source(%arg6 : memref<2000x16xf32, #tpu.memory_space<vmem>>) target(%dma_start3A_52 : memref<2000x16xf32, #tpu.memory_space<hbm>>) target_semaphore(%run_scoped3A : memref<!tpu.dma_semaphore, #tpu.memory_space<semaphore_mem>>)
      %dma_wait3A_53 = arith.constant 0 : i32
      %dma_wait3A_54 = tpu.memref_slice %arg4[%add3A_32, %dma_wait3A_53] : memref<320000x16xf32, #tpu.memory_space<hbm>> -> memref<2000x16xf32, #tpu.memory_space<hbm>>
      %dma_wait3A_55 = arith.constant 0 : i32
      %dma_wait3A_56 = tpu.memref_slice %arg4[%add3A_32, %dma_wait3A_55] : memref<320000x16xf32, #tpu.memory_space<hbm>> -> memref<2000x16xf32, #tpu.memory_space<hbm>>
      tpu.wait_dma2 semaphore(%run_scoped3A : memref<!tpu.dma_semaphore, #tpu.memory_space<semaphore_mem>>) src(%arg6 : memref<2000x16xf32, #tpu.memory_space<vmem>>) dst(%dma_wait3A_56 : memref<2000x16xf32, #tpu.memory_space<hbm>>)
      tpu.yield
    }) : () -> ()
    %mul3A_39 = arith.constant 10000 : i32
    %mul3A_40 = arith.muli %add3A, %mul3A_39 : i32
    %add3A_41 = arith.constant 8000 : i32
    %add3A_42 = arith.addi %mul3A_40, %add3A_41 : i32
    "tpu.region"() ({
      %run_scoped3A = tpu.sem_alloc : memref<!tpu.dma_semaphore, #tpu.memory_space<semaphore_mem>>
      %dma_start3A_49 = tpu.memref_slice %arg3[%add3A_42] : memref<320000xi32, #tpu.memory_space<hbm>> -> memref<2000xi32, #tpu.memory_space<hbm>>
      %dma_start3A_50 = tpu.memref_slice %arg3[%add3A_42] : memref<320000xi32, #tpu.memory_space<hbm>> -> memref<2000xi32, #tpu.memory_space<hbm>>
      tpu.enqueue_dma source(%dma_start3A_50 : memref<2000xi32, #tpu.memory_space<hbm>>) target(%arg5 : memref<2000xi32, #tpu.memory_space<vmem>>) target_semaphore(%run_scoped3A : memref<!tpu.dma_semaphore, #tpu.memory_space<semaphore_mem>>)
      %dma_wait3A_51 = tpu.memref_slice %arg3[%add3A_42] : memref<320000xi32, #tpu.memory_space<hbm>> -> memref<2000xi32, #tpu.memory_space<hbm>>
      %dma_wait3A_52 = tpu.memref_slice %arg3[%add3A_42] : memref<320000xi32, #tpu.memory_space<hbm>> -> memref<2000xi32, #tpu.memory_space<hbm>>
      tpu.wait_dma2 semaphore(%run_scoped3A : memref<!tpu.dma_semaphore, #tpu.memory_space<semaphore_mem>>) src(%dma_wait3A_52 : memref<2000xi32, #tpu.memory_space<hbm>>) dst(%arg5 : memref<2000xi32, #tpu.memory_space<vmem>>)
      tpu.yield
    }) : () -> ()
    %dma_start3A_43 = arith.constant 0 : i32
    %dma_start3A_44 = arith.constant 0 : i32
    %dma_start3A_45 = tpu.memref_slice %arg2[%dma_start3A_43, %dma_start3A_44] : memref<320000x16xf32, #tpu.memory_space<hbm>> -> memref<320000x16xf32, #tpu.memory_space<hbm>>
    tpu.enqueue_indirect_dma source(%dma_start3A_45 : memref<320000x16xf32, #tpu.memory_space<hbm>>) target(%arg6 : memref<2000x16xf32, #tpu.memory_space<vmem>>) offsets(%arg5 : memref<2000xi32, #tpu.memory_space<vmem>>) semaphore(%arg7 : memref<!tpu.dma_semaphore, #tpu.memory_space<semaphore_mem>>)
    %dma_wait3A_46 = arith.constant 0 : i32
    %dma_wait3A_47 = arith.constant 0 : i32
    %dma_wait3A_48 = tpu.memref_slice %arg2[%dma_wait3A_46, %dma_wait3A_47] : memref<320000x16xf32, #tpu.memory_space<hbm>> -> memref<320000x16xf32, #tpu.memory_space<hbm>>
    tpu.wait_indirect_dma semaphore(%arg7 : memref<!tpu.dma_semaphore, #tpu.memory_space<semaphore_mem>>) src(%dma_wait3A_48 : memref<320000x16xf32, #tpu.memory_space<hbm>>) dst(%arg6 : memref<2000x16xf32, #tpu.memory_space<vmem>>)
    "tpu.region"() ({
      %run_scoped3A = tpu.sem_alloc : memref<!tpu.dma_semaphore, #tpu.memory_space<semaphore_mem>>
      %dma_start3A_49 = arith.constant 0 : i32
      %dma_start3A_50 = tpu.memref_slice %arg4[%add3A_42, %dma_start3A_49] : memref<320000x16xf32, #tpu.memory_space<hbm>> -> memref<2000x16xf32, #tpu.memory_space<hbm>>
      %dma_start3A_51 = arith.constant 0 : i32
      %dma_start3A_52 = tpu.memref_slice %arg4[%add3A_42, %dma_start3A_51] : memref<320000x16xf32, #tpu.memory_space<hbm>> -> memref<2000x16xf32, #tpu.memory_space<hbm>>
      tpu.enqueue_dma source(%arg6 : memref<2000x16xf32, #tpu.memory_space<vmem>>) target(%dma_start3A_52 : memref<2000x16xf32, #tpu.memory_space<hbm>>) target_semaphore(%run_scoped3A : memref<!tpu.dma_semaphore, #tpu.memory_space<semaphore_mem>>)
      %dma_wait3A_53 = arith.constant 0 : i32
      %dma_wait3A_54 = tpu.memref_slice %arg4[%add3A_42, %dma_wait3A_53] : memref<320000x16xf32, #tpu.memory_space<hbm>> -> memref<2000x16xf32, #tpu.memory_space<hbm>>
      %dma_wait3A_55 = arith.constant 0 : i32
      %dma_wait3A_56 = tpu.memref_slice %arg4[%add3A_42, %dma_wait3A_55] : memref<320000x16xf32, #tpu.memory_space<hbm>> -> memref<2000x16xf32, #tpu.memory_space<hbm>>
      tpu.wait_dma2 semaphore(%run_scoped3A : memref<!tpu.dma_semaphore, #tpu.memory_space<semaphore_mem>>) src(%arg6 : memref<2000x16xf32, #tpu.memory_space<vmem>>) dst(%dma_wait3A_56 : memref<2000x16xf32, #tpu.memory_space<hbm>>)
      tpu.yield
    }) : () -> ()
    return
  }
}

</mosaic_0001>

<sc_bundles>
// kernel: _sc_gather.3.cloned.1.call-start
scs
__scs_entry_jumppad:
0x0: {  	(pc) =	sbr.rel $0x88, $3  }
0x1: {  	(tag) =	ssettag $0x0;
	lr =	simm.s32 $0x1  }
0x2: {  	[smem:$0x3F9F] =	sst lr;
	_ =	strace $0xD0000000  }
0x3: {  	_ = 	snop  }
0x4: {  	_ = 	snop  }
0x5: {  	_ = 	snop  }
0x6: {  	_ = 	snop  }
0x7: {  	_ = 	snop  }
__scs_overlays_trampoline_lowered:
0x8: {  	[smem:$0x3FAE] =	sst s0  }
0x9: {  	[smem:$0x3FAF] =	sst s1  }
0xa: {  	[smem:$0x3FB0] =	sst s2  }
0xb: {  	[smem:$0x3FB1] =	sst s3  }
0xc: {  	[smem:$0x3FB2] =	sst s4  }
0xd: {  	[smem:$0x3FB3] =	sst s5  }
0xe: {  	[smem:$0x3FB4] =	sst s6  }
0xf: {  	[smem:$0x3FB5] =	sst s7  }
0x10: {  	[smem:$0x3FB6] =	sst s8  }
0x11: {  	[smem:$0x3FB7] =	sst s9;
	s0 =	simm.s32 @!p0 $0x0  }
0x12: {  	s1 =	sld [smem:$0x3F9D];
	s0 =	simm.s32 @p0 $0x1  }
0x13: {  	[smem:$0x3FB8] =	sst s0;
	s0 =	simm.s32 @!p1 $0x0  }
0x14: {  	s2 =	sld [smem:$0x3F9C];
	s0 =	simm.s32 @p1 $0x1  }
0x15: {  	[smem:$0x3FB9] =	sst s0;
	s0 =	simm.s32 @!p2 $0x0  }
0x16: {  	s3 =	sld [smem:$0x3FDB];
	s0 =	simm.s32 @p2 $0x1  }
0x17: {  	s4 =	simm.s32 $0x1BF5;
	[smem:$0x3FBB] =	sst s0  }
0x18: {  	s0 =	sld [smem:$0x3F9E];
	_ =	swait.ge [sflag:s4], $0x0  }
0x19: {  	s7 =	sld [smem:$0x3F9F]  }
0x1a: {  	s8 =	sadd.s32 $0xFFFFE003, lr  }
0x1b: {  	s9 =	sadd.s32 $0xFFFFFEF7, lr;
	s5 =	simm.s32 $0xFFFFFFFF;
	p2 =	slt.u32 s8, $0xFFFFF086  }
0x1c: {  	p1 =	slt.u32 s9, $0xF7A;
	s5 =	simm.s32 @!p2 $0x0  }
0x1d: {  	s5 =	simm.s32 @p1 $0x1;
	p0 =	seq.s32 s7, s2  }
0x1e: {  	s7 =	smul.u32 @!p0 $0xF7A, s2;
	p2 =	seq.s32 @!p0 s5, $0x0  }
0x1f: {  	s9 =	smul.u32 $0xF7A, s1;
	s8 =	simm.s32 @!p0 $0x1BF5;
	p2 =	por !p2, p0  }
0x20: {  	[sflag:s8] =	ssyncset.s32 @!p0 $0xFFFFF086;
	s6 =	sadd.s32 @!p0 s3, s7;
	s7 =	simm.s32 @!p0 $0x108  }
0x21: {  	s3 =	sadd.s32 s3, s9;
	s6 =	sadd.s32 @!p0 $0x88, s6;
	s7 =	simm.s32 @p2 $0x1082  }
0x22: {  	[simem:s7], [sflag:s8] =	dma.local @!p0 [hbm:s6], $0xF7A  }
0x23: {  	s9 =	sor.u32 $0xD0000000, s2;
	s6 =	simm.s32 $0x108;
	_ =	swait.ge @!p0 [sflag:s8], $0x0  }
0x24: {  	s3 =	sadd.s32 $0x88, s3;
	s6 =	simm.s32 @!p1 $0x1082;
	[sflag:s4] =	ssyncset.s32 $0xFFFFF086  }
0x25: {  	[simem:s6], [sflag:s4] =	dma.local [hbm:s3], $0xF7A  }
0x26: {  	[smem:$0x3F9F] =	sst s1;
	(tag) =	ssettag s2;
	_ =	strace s9  }
0x27: {  	s1 =	sld [smem:$0x3FAF]  }
0x28: {  	s2 =	sld [smem:$0x3FB0]  }
0x29: {  	s4 =	sld [smem:$0x3FB2]  }
0x2a: {  	p0 =	seq.s32 s5, $0x0;
	s5 =	sld [smem:$0x3FB3]  }
0x2b: {  	s6 =	sld [smem:$0x3FB4]  }
0x2c: {  	s7 =	sld [smem:$0x3FB5]  }
0x2d: {  	s3 =	simm.s32 $0x108;
	s8 =	sld [smem:$0x3FB6]  }
0x2e: {  	s3 =	simm.s32 @!p0 $0x1082;
	s9 =	sld [smem:$0x3FB7]  }
0x2f: {  	lr =	sadd.s32 s0, s3;
	s0 =	sld [smem:$0x3FAE]  }
0x30: {  	s3 =	sld [smem:$0x3FB1]  }
0x31: {  	[smem:$0x3FBA] =	sst s10  }
0x32: {  	s10 =	sld [smem:$0x3FB8];
	_ =	sdelay $0x3  }
0x33: {  	p0 =	seq.s32 s10, $0x1;
	s10 =	sld [smem:$0x3FBA];
	_ =	sdelay $0x3  }
0x34: {  	[smem:$0x3FBA] =	sst s10  }
0x35: {  	s10 =	sld [smem:$0x3FB9];
	_ =	sdelay $0x3  }
0x36: {  	p1 =	seq.s32 s10, $0x1;
	s10 =	sld [smem:$0x3FBA];
	_ =	sdelay $0x3  }
0x37: {  	[smem:$0x3FBA] =	sst s10  }
0x38: {  	s10 =	sld [smem:$0x3FBB]  }
0x39: {  	_ = 	snop;
	(pc) =	sbr.ind lr, $3  }
0x3a: {  	_ = 	snop  }
0x3b: {  	_ = 	snop  }
0x3c: {  	p2 =	seq.s32 s10, $0x1;
	s10 =	sld [smem:$0x3FBA]  }
0x3d: {  	_ =	shalt  }
0x3e: {  	_ =	shalt  }
0x3f: {  	_ =	shalt  }
0x40: {  	_ =	shalt  }
0x41: {  	_ =	shalt  }
0x42: {  	_ =	shalt  }
0x43: {  	_ =	shalt  }
0x44: {  	_ =	shalt  }
0x45: {  	_ =	shalt  }
0x46: {  	_ =	shalt  }
0x47: {  	_ =	shalt  }
0x48: {  	_ =	shalt  }
0x49: {  	_ =	shalt  }
0x4a: {  	_ =	shalt  }
0x4b: {  	_ =	shalt  }
0x4c: {  	_ =	shalt  }
0x4d: {  	_ =	shalt  }
0x4e: {  	_ =	shalt  }
0x4f: {  	_ =	shalt  }
0x50: {  	_ =	shalt  }
0x51: {  	_ =	shalt  }
0x52: {  	_ =	shalt  }
0x53: {  	_ =	shalt  }
0x54: {  	_ =	shalt  }
0x55: {  	_ =	shalt  }
0x56: {  	_ =	shalt  }
0x57: {  	_ =	shalt  }
0x58: {  	_ =	shalt  }
0x59: {  	_ =	shalt  }
0x5a: {  	_ =	shalt  }
0x5b: {  	_ =	shalt  }
0x5c: {  	_ =	shalt  }
0x5d: {  	_ =	shalt  }
0x5e: {  	_ =	shalt  }
0x5f: {  	_ =	shalt  }
0x60: {  	_ =	shalt  }
0x61: {  	_ =	shalt  }
0x62: {  	_ =	shalt  }
0x63: {  	_ =	shalt  }
0x64: {  	_ =	shalt  }
0x65: {  	_ =	shalt  }
0x66: {  	_ =	shalt  }
0x67: {  	_ =	shalt  }
0x68: {  	_ =	shalt  }
0x69: {  	_ =	shalt  }
0x6a: {  	_ =	shalt  }
0x6b: {  	_ =	shalt  }
0x6c: {  	_ =	shalt  }
0x6d: {  	_ =	shalt  }
0x6e: {  	_ =	shalt  }
0x6f: {  	_ =	shalt  }
0x70: {  	_ =	shalt  }
0x71: {  	_ =	shalt  }
0x72: {  	_ =	shalt  }
0x73: {  	_ =	shalt  }
0x74: {  	_ =	shalt  }
0x75: {  	_ =	shalt  }
0x76: {  	_ =	shalt  }
0x77: {  	_ =	shalt  }
0x78: {  	_ =	shalt  }
0x79: {  	_ =	shalt  }
0x7a: {  	_ =	shalt  }
0x7b: {  	_ =	shalt  }
0x7c: {  	_ =	shalt  }
0x7d: {  	_ =	shalt  }
0x7e: {  	_ =	shalt  }
0x7f: {  	_ =	shalt  }
0x80: {  	_ =	shalt  }
0x81: {  	_ =	shalt  }
0x82: {  	_ =	shalt  }
0x83: {  	_ =	shalt  }
0x84: {  	_ =	shalt  }
0x85: {  	_ =	shalt  }
0x86: {  	_ =	shalt  }
0x87: {  	_ =	shalt  }
.Lfunc_end0:
.L_simem_size_0:
called_computation_lowered:
.L_overlay_start_0:
0x88: {  	s2 =	sld [smem:$0x3FD9]  }
0x89: {  	s3 =	sld [smem:$0x3FFE];
	_ =	sdelay $0x1  }
0x8a: {  	s1 =	srdreg.scid  }
0x8b: {  	s0 =	sand.u32 $0x1, s1  }
0x8c: {  	s17 =	sshll.u32 s0, $0xA;
	s2 =	sadd.s32 s3, s2  }
0x8d: {  	s2 =	sadd.s32 s2, s17  }
0x8e: {  	[smem:$0x3FC6] =	sst s2  }
0x8f: {  	_ = 	snop  }
0x90: {  	s2 =	sld [smem:$0x3FC8]  }
0x91: {  	s18 =	sld [smem:$0x3FD0];
	(tm) =	ssettm $0x1  }
0x92: {  	s4 =	sld [smem:$0x3FFB];
	_ =	sdelay $0x3  }
0x93: {  	_ =	strace s4  }
0x94: {  	s4 =	sld [smem:$0x3FFC];
	_ =	sdelay $0x3  }
0x95: {  	_ =	strace s4  }
0x96: {  	s4 =	sld [smem:$0x3FFD];
	_ =	sdelay $0x3  }
0x97: {  	_ =	strace s4  }
0x98: {  	_ =	strace $0x8FFFFFFF  }
0x99: {  	s19 =	sld [smem:$0x3FDB];
	_ =	sdelay $0x1  }
0x9a: {  	s5 =	simm.s32 $_scs_section_size  }
0x9b: {  	s6 =	simm.s32 $_size__tile_overlayer_lowered;
	s7 =	simm.s32 $_tile_overlayer_lowered  }
0x9c: {  	s22 =	simm.s32 $0x1BFF;
	s21 =	sshll.u32 s7, $0x1;
	s4 =	sadd.s32 s5, s19  }
0x9d: {  	s8 =	simm.s32 $0x0;
	s20 =	sshll.u32 s6, $0x1;
	s6 =	sadd.s32 s21, s4  }
0x9e: {  	[timem:s8], [sflag:s22] =	dma.local [hbm:s6], s20  }
0x9f: {  	_ =	swait.ge [sflag:s22], s20  }
0xa0: {  	s5 =	ssub.s32 $0x0, s20;
	[sflag:s22] =	ssyncset.done $0x0  }
0xa1: {  	[sflag:s22] =	ssyncadd.s32 s5;
	_ =	sdelay $0x1  }
0xa2: {  	s23 =	simm.s32 $0x1B8B  }
0xa3: {  	_ =	swait.ge [sflag:s23], $0x1  }
0xa4: {  	[sflag:s23] =	ssyncset.done $0x0  }
0xa5: {  	s25 =	simm.s32 $0x1B8E;
	s24 =	sld [smem:$0x3FFE];
	[sflag:s23] =	ssyncadd.s32 $0xFFFFFFFF  }
0xa6: {  	s26 =	simm.s32 $execute0_lowered;
	[smem:$0x3FD2] =	sst s25  }
0xa7: {  	s6 =	sshll.u32 s26, $0x1;
	_ =	strace $0x80000046;
	[dreg:$0x1] =	wrdreg $0xFFFFFFFF  }
0xa8: {  	s28 =	simm.s32 $_size_execute0_lowered;
	s4 =	sadd.s32 s4, s6;
	[dreg:$0x0] =	wrdreg $0x0  }
0xa9: {  	s6 =	sshll.u32 s28, $0x1;
	[dreg:$0x2] =	wrdreg s4  }
0xaa: {  	[dreg:$0x3] =	wrdreg s6  }
0xab: {  	[dreg:$0x4] =	wrdreg $0xC0  }
0xac: {  	_ =	task [dreg:s8], $0x5FFFF  }
0xad: {  	[dreg:$0x1] =	wrdreg $0xFFFFFFFF  }
0xae: {  	[dreg:$0x0] =	wrdreg $0x60  }
0xaf: {  	[dreg:$0x2] =	wrdreg s18  }
0xb0: {  	[dreg:$0x3] =	wrdreg s2  }
0xb1: {  	[dreg:$0x4] =	wrdreg s24  }
0xb2: {  	[dreg:$0x5] =	wrdreg $0x9  }
0xb3: {  	_ =	task.clear_ibuf [dreg:s8], $0x6FFFF;
	_ =	strace $0x90000046  }
0xb4: {  	s29 =	simm.s32 $0x9;
	_ =	strace $0x80000048  }
0xb5: {  	_ =	swait.ge [sflag:s29], $0x1  }
0xb6: {  	[sflag:s29] =	ssyncadd.s32 $0xFFFFFFFF  }
0xb7: {  	_ =	strace $0x90000048  }
0xb8: {  	_ =	sfence  }
0xb9: {  	s30 =	sld [smem:$0x0];
	_ =	sdelay $0x2  }
0xba: {  	s31 =	sshll.u32 s1, $0xD;
	s1 =	sshrl.u32 s1, $0x2  }
0xbb: {  	s3 =	sand.u32 $0x4000, s31;
	s1 =	sadd.s32 s1, s30  }
0xbc: {  	s0 =	sor.u32 s3, s0;
	s1 =	sshll.u32 s1, $0x11  }
0xbd: {  	s0 =	sor.u32 s1, s0  }
0xbe: {  	s0 =	sadd.s32 $0x8F2B, s0  }
0xbf: {  	[sflag:s0] =	ssyncadd.remote.s32 $0x1  }
0xc0: {  	_ =	sfence.sel $0xFFFF  }
0xc1: {  	[dreg:$0x0] =	wrdreg $0xFFFFFFFF;
	(pc) =	sbr.abs _section_cstart, $3  }
0xc2: {  	[dreg:$0x1] =	wrdreg $0xFFFFFFFF  }
0xc3: {  	_ =	task.clear_ibuf [dreg:s8], $0x2FFFF;
	_ =	strace $0x9FFFFFFF  }
0xc4: {  	(tm) =	ssettm $0x7FFFFFFF  }
0xc5: {  	_ =	shalt  }
tec
execute0_lowered:
.L_overlay_start_1:
0x0: {  	(tag) =	ssettag $0x1  }
0x1: {  	s1 =	srdreg.scid;
	s0 =	stileid.u32  }
0x2: {  	s2 =	rddreg [dreg:$0x0];
	s16 =	sand.u32 $0x1, s1;
	s26 =	sshll.u32 s0, $0x1  }
0x3: {  	s15 =	rddreg [dreg:$0x1];
	s8 =	sor.u32 s16, s26  }
0x4: {  	s9 =	rddreg [dreg:$0x2];
	s18 =	smul.u32 $0x2710, s8  }
0x5: {  	s3 =	simm.s32 $0x0;
	s1 =	rddreg [dreg:$0x3]  }
0x6: {  	[smem:$0x7FF] =	sst s3;
	s4 =	sshrl.u32 s18, $0x3  }
0x7: {  	_ =	strace $0x80000047;
	s5 =	sadd.s32 s15, s4;
	s4 =	simm.s32 $0x2  }
0x8: {  	[tilespmem:s3], [sflag:$0x2] =	stream.linear.gather [hbm4b:s5+s3], $0x7D0, $0x38;
	[tilespmem:$0x84D0] =	vst v63  }
0x9: {  	_ =	swait.ge [sflag:s4], $0x7D0  }
0xa: {  	[sflag:s4] =	ssyncset.done $0x0  }
0xb: {  	s6 =	simm.s32 $0x7D0;
	s7 =	simm.s32 $0x1;
	[sflag:s4] =	ssyncadd.s32 $0xFFFFF830  }
0xc: {  	[tilespmem:s6], [sflag:$0x1] =	stream.indirect.gather [hbm4b:s2+s6], $0x10, s3, s6, $0xb8;
	[tilespmem:$0x84D0] =	vst v63  }
0xd: {  	s8 =	smul.u32 $0x4E20, s8;
	_ =	swait.ge [sflag:s7], $0x7D00  }
0xe: {  	s17 =	sadd.s32 $0x400, s9;
	[sflag:s7] =	ssyncset.done $0x0  }
0xf: {  	s8 =	sadd.s32 s17, s8;
	[sflag:s7] =	ssyncadd.s32 $0xFFFF8300  }
0x10: {  	[hbm4b:s8+s3] =	stream.linear.scatter [tilespmem:s6], [sflag:$0x2], $0x7D00, $0x38;
	[tilespmem:$0x84D0] =	vst v63  }
0x11: {  	s10 =	sadd.s32 $0x7D0, s18;
	_ =	swait.ge [sflag:s4], $0x7D00  }
0x12: {  	s28 =	sshrl.u32 s10, $0x3;
	[sflag:s4] =	ssyncset.done $0x0  }
0x13: {  	s9 =	sadd.s32 s15, s28;
	[sflag:s4] =	ssyncadd.s32 $0xFFFF8300  }
0x14: {  	[tilespmem:s3], [sflag:$0x2] =	stream.linear.gather [hbm4b:s9+s3], $0x7D0, $0x38;
	[tilespmem:$0x84D0] =	vst v63  }
0x15: {  	_ =	swait.ge [sflag:s4], $0x7D0  }
0x16: {  	[sflag:s4] =	ssyncset.done $0x0  }
0x17: {  	[sflag:s4] =	ssyncadd.s32 $0xFFFFF830  }
0x18: {  	[tilespmem:s6], [sflag:$0x1] =	stream.indirect.gather [hbm4b:s2+s6], $0x10, s3, s6, $0xb8;
	[tilespmem:$0x84D0] =	vst v63  }
0x19: {  	_ =	swait.ge [sflag:s7], $0x7D00  }
0x1a: {  	s10 =	sshll.u32 s10, $0x1;
	[sflag:s7] =	ssyncset.done $0x0  }
0x1b: {  	s10 =	sadd.s32 s17, s10;
	[sflag:s7] =	ssyncadd.s32 $0xFFFF8300  }
0x1c: {  	[hbm4b:s10+s3] =	stream.linear.scatter [tilespmem:s6], [sflag:$0x2], $0x7D00, $0x38;
	[tilespmem:$0x84D0] =	vst v63  }
0x1d: {  	s12 =	sadd.s32 $0xFA0, s18;
	_ =	swait.ge [sflag:s4], $0x7D00  }
0x1e: {  	s11 =	sshrl.u32 s12, $0x3;
	[sflag:s4] =	ssyncset.done $0x0  }
0x1f: {  	s11 =	sadd.s32 s15, s11;
	[sflag:s4] =	ssyncadd.s32 $0xFFFF8300  }
0x20: {  	[tilespmem:s3], [sflag:$0x2] =	stream.linear.gather [hbm4b:s11+s3], $0x7D0, $0x38;
	[tilespmem:$0x84D0] =	vst v63  }
0x21: {  	_ =	swait.ge [sflag:s4], $0x7D0  }
0x22: {  	[sflag:s4] =	ssyncset.done $0x0  }
0x23: {  	[sflag:s4] =	ssyncadd.s32 $0xFFFFF830  }
0x24: {  	[tilespmem:s6], [sflag:$0x1] =	stream.indirect.gather [hbm4b:s2+s6], $0x10, s3, s6, $0xb8;
	[tilespmem:$0x84D0] =	vst v63  }
0x25: {  	_ =	swait.ge [sflag:s7], $0x7D00  }
0x26: {  	s12 =	sshll.u32 s12, $0x1;
	[sflag:s7] =	ssyncset.done $0x0  }
0x27: {  	s12 =	sadd.s32 s17, s12;
	[sflag:s7] =	ssyncadd.s32 $0xFFFF8300  }
0x28: {  	[hbm4b:s12+s3] =	stream.linear.scatter [tilespmem:s6], [sflag:$0x2], $0x7D00, $0x38;
	[tilespmem:$0x84D0] =	vst v63  }
0x29: {  	s14 =	sadd.s32 $0x1770, s18;
	_ =	swait.ge [sflag:s4], $0x7D00  }
0x2a: {  	s13 =	sshrl.u32 s14, $0x3;
	[sflag:s4] =	ssyncset.done $0x0  }
0x2b: {  	s13 =	sadd.s32 s15, s13;
	[sflag:s4] =	ssyncadd.s32 $0xFFFF8300  }
0x2c: {  	[tilespmem:s3], [sflag:$0x2] =	stream.linear.gather [hbm4b:s13+s3], $0x7D0, $0x38;
	[tilespmem:$0x84D0] =	vst v63  }
0x2d: {  	_ =	swait.ge [sflag:s4], $0x7D0  }
0x2e: {  	[sflag:s4] =	ssyncset.done $0x0  }
0x2f: {  	[sflag:s4] =	ssyncadd.s32 $0xFFFFF830  }
0x30: {  	[tilespmem:s6], [sflag:$0x1] =	stream.indirect.gather [hbm4b:s2+s6], $0x10, s3, s6, $0xb8;
	[tilespmem:$0x84D0] =	vst v63  }
0x31: {  	_ =	swait.ge [sflag:s7], $0x7D00  }
0x32: {  	s14 =	sshll.u32 s14, $0x1;
	[sflag:s7] =	ssyncset.done $0x0  }
0x33: {  	s14 =	sadd.s32 s17, s14;
	[sflag:s7] =	ssyncadd.s32 $0xFFFF8300  }
0x34: {  	[hbm4b:s14+s3] =	stream.linear.scatter [tilespmem:s6], [sflag:$0x2], $0x7D00, $0x38;
	[tilespmem:$0x84D0] =	vst v63  }
0x35: {  	s18 =	sadd.s32 $0x1F40, s18;
	_ =	swait.ge [sflag:s4], $0x7D00  }
0x36: {  	s19 =	sshrl.u32 s18, $0x3;
	[sflag:s4] =	ssyncset.done $0x0  }
0x37: {  	s16 =	ssub.s32 $0x2, s16;
	s15 =	sadd.s32 s15, s19;
	[sflag:s4] =	ssyncadd.s32 $0xFFFF8300  }
0x38: {  	[tilespmem:s3], [sflag:$0x2] =	stream.linear.gather [hbm4b:s15+s3], $0x7D0, $0x38;
	[tilespmem:$0x84D0] =	vst v63  }
0x39: {  	s29 =	sshrl.u32 s16, $0x1;
	_ =	swait.ge [sflag:s4], $0x7D0  }
0x3a: {  	s19 =	ssub.s32 s16, s29;
	[sflag:s4] =	ssyncset.done $0x0  }
0x3b: {  	s31 =	smax.u32 s19, $0x1;
	[sflag:s4] =	ssyncadd.s32 $0xFFFFF830  }
0x3c: {  	[tilespmem:s6], [sflag:$0x1] =	stream.indirect.gather [hbm4b:s2+s6], $0x10, s3, s6, $0xb8;
	[tilespmem:$0x84D0] =	vst v63  }
0x3d: {  	p0 =	sne.s32 s31, $0x1;
	_ =	swait.ge [sflag:s7], $0x7D00  }
.Ltmp0:
0x3e: {  	s30 =	sshll.u32 s18, $0x1;
	[sflag:s7] =	ssyncset.done $0x0;
	(pc) =	sbr.rel @!p0 .LBB2_2-.Ltmp0, $4  }
0x3f: {  	s16 =	sadd.s32 s17, s30;
	[sflag:s7] =	ssyncadd.s32 $0xFFFF8300  }
0x40: {  	[hbm4b:s16+s3] =	stream.linear.scatter [tilespmem:s6], [sflag:$0x2], $0x7D00, $0x38;
	[tilespmem:$0x84D0] =	vst v63  }
0x41: {  	_ =	swait.ge [sflag:s4], $0x7D00  }
0x42: {  	s17 =	sadd.s32 $0xFFFFFFFF, s31;
	[sflag:s4] =	ssyncset.done $0x0  }
.LBB2_1:
0x43: {  	p0 =	sne.s32 s17, $0x1;
	s17 =	sadd.s32 $0xFFFFFFFF, s17;
	[sflag:s4] =	ssyncadd.s32 $0xFFFF8300  }
0x44: {  	[tilespmem:s3], [sflag:$0x2] =	stream.linear.gather [hbm4b:s5+s3], $0x7D0, $0x38;
	[tilespmem:$0x84D0] =	vst v63  }
0x45: {  	_ =	swait.ge [sflag:s4], $0x7D0  }
0x46: {  	[sflag:s4] =	ssyncset.done $0x0  }
0x47: {  	[sflag:s4] =	ssyncadd.s32 $0xFFFFF830  }
0x48: {  	[tilespmem:s6], [sflag:$0x1] =	stream.indirect.gather [hbm4b:s2+s6], $0x10, s3, s6, $0xb8;
	[tilespmem:$0x84D0] =	vst v63  }
0x49: {  	_ =	swait.ge [sflag:s7], $0x7D00  }
0x4a: {  	[sflag:s7] =	ssyncset.done $0x0  }
0x4b: {  	[sflag:s7] =	ssyncadd.s32 $0xFFFF8300  }
0x4c: {  	[hbm4b:s8+s3] =	stream.linear.scatter [tilespmem:s6], [sflag:$0x2], $0x7D00, $0x38;
	[tilespmem:$0x84D0] =	vst v63  }
0x4d: {  	_ =	swait.ge [sflag:s4], $0x7D00  }
0x4e: {  	[sflag:s4] =	ssyncset.done $0x0  }
0x4f: {  	[sflag:s4] =	ssyncadd.s32 $0xFFFF8300  }
0x50: {  	[tilespmem:s3], [sflag:$0x2] =	stream.linear.gather [hbm4b:s9+s3], $0x7D0, $0x38;
	[tilespmem:$0x84D0] =	vst v63  }
0x51: {  	_ =	swait.ge [sflag:s4], $0x7D0  }
0x52: {  	[sflag:s4] =	ssyncset.done $0x0  }
0x53: {  	[sflag:s4] =	ssyncadd.s32 $0xFFFFF830  }
0x54: {  	[tilespmem:s6], [sflag:$0x1] =	stream.indirect.gather [hbm4b:s2+s6], $0x10, s3, s6, $0xb8;
	[tilespmem:$0x84D0] =	vst v63  }
0x55: {  	_ =	swait.ge [sflag:s7], $0x7D00  }
0x56: {  	[sflag:s7] =	ssyncset.done $0x0  }
0x57: {  	[sflag:s7] =	ssyncadd.s32 $0xFFFF8300  }
0x58: {  	[hbm4b:s10+s3] =	stream.linear.scatter [tilespmem:s6], [sflag:$0x2], $0x7D00, $0x38;
	[tilespmem:$0x84D0] =	vst v63  }
0x59: {  	_ =	swait.ge [sflag:s4], $0x7D00  }
0x5a: {  	[sflag:s4] =	ssyncset.done $0x0  }
0x5b: {  	[sflag:s4] =	ssyncadd.s32 $0xFFFF8300  }
0x5c: {  	[tilespmem:s3], [sflag:$0x2] =	stream.linear.gather [hbm4b:s11+s3], $0x7D0, $0x38;
	[tilespmem:$0x84D0] =	vst v63  }
0x5d: {  	_ =	swait.ge [sflag:s4], $0x7D0  }
0x5e: {  	[sflag:s4] =	ssyncset.done $0x0  }
0x5f: {  	[sflag:s4] =	ssyncadd.s32 $0xFFFFF830  }
0x60: {  	[tilespmem:s6], [sflag:$0x1] =	stream.indirect.gather [hbm4b:s2+s6], $0x10, s3, s6, $0xb8;
	[tilespmem:$0x84D0] =	vst v63  }
0x61: {  	_ =	swait.ge [sflag:s7], $0x7D00  }
0x62: {  	[sflag:s7] =	ssyncset.done $0x0  }
0x63: {  	[sflag:s7] =	ssyncadd.s32 $0xFFFF8300  }
0x64: {  	[hbm4b:s12+s3] =	stream.linear.scatter [tilespmem:s6], [sflag:$0x2], $0x7D00, $0x38;
	[tilespmem:$0x84D0] =	vst v63  }
0x65: {  	_ =	swait.ge [sflag:s4], $0x7D00  }
0x66: {  	[sflag:s4] =	ssyncset.done $0x0  }
0x67: {  	[sflag:s4] =	ssyncadd.s32 $0xFFFF8300  }
0x68: {  	[tilespmem:s3], [sflag:$0x2] =	stream.linear.gather [hbm4b:s13+s3], $0x7D0, $0x38;
	[tilespmem:$0x84D0] =	vst v63  }
0x69: {  	_ =	swait.ge [sflag:s4], $0x7D0  }
0x6a: {  	[sflag:s4] =	ssyncset.done $0x0  }
0x6b: {  	[sflag:s4] =	ssyncadd.s32 $0xFFFFF830  }
0x6c: {  	[tilespmem:s6], [sflag:$0x1] =	stream.indirect.gather [hbm4b:s2+s6], $0x10, s3, s6, $0xb8;
	[tilespmem:$0x84D0] =	vst v63  }
0x6d: {  	_ =	swait.ge [sflag:s7], $0x7D00  }
0x6e: {  	[sflag:s7] =	ssyncset.done $0x0  }
0x6f: {  	[sflag:s7] =	ssyncadd.s32 $0xFFFF8300  }
0x70: {  	[hbm4b:s14+s3] =	stream.linear.scatter [tilespmem:s6], [sflag:$0x2], $0x7D00, $0x38;
	[tilespmem:$0x84D0] =	vst v63  }
0x71: {  	_ =	swait.ge [sflag:s4], $0x7D00  }
0x72: {  	[sflag:s4] =	ssyncset.done $0x0  }
0x73: {  	[sflag:s4] =	ssyncadd.s32 $0xFFFF8300  }
0x74: {  	[tilespmem:s3], [sflag:$0x2] =	stream.linear.gather [hbm4b:s15+s3], $0x7D0, $0x38;
	[tilespmem:$0x84D0] =	vst v63  }
0x75: {  	_ =	swait.ge [sflag:s4], $0x7D0  }
0x76: {  	[sflag:s4] =	ssyncset.done $0x0  }
0x77: {  	[sflag:s4] =	ssyncadd.s32 $0xFFFFF830  }
0x78: {  	[tilespmem:s6], [sflag:$0x1] =	stream.indirect.gather [hbm4b:s2+s6], $0x10, s3, s6, $0xb8;
	[tilespmem:$0x84D0] =	vst v63  }
0x79: {  	_ =	swait.ge [sflag:s7], $0x7D00  }
.Ltmp1:
0x7a: {  	[sflag:s7] =	ssyncset.done $0x0;
	(pc) =	sbr.rel @p0 .LBB2_1-.Ltmp1, $4  }
0x7b: {  	[sflag:s7] =	ssyncadd.s32 $0xFFFF8300  }
0x7c: {  	[hbm4b:s16+s3] =	stream.linear.scatter [tilespmem:s6], [sflag:$0x2], $0x7D00, $0x38;
	[tilespmem:$0x84D0] =	vst v63  }
0x7d: {  	_ =	swait.ge [sflag:s4], $0x7D00  }
0x7e: {  	[sflag:s4] =	ssyncset.done $0x0  }
.LBB2_2:
0x7f: {  	[sflag:s4] =	ssyncadd.s32 $0xFFFF8300  }
0x80: {  	_ =	sfence.sel $0x180000  }
0x81: {  	[bflag:$0x0] =	sbarrier.arrive $0xFFFF  }
0x82: {  	p0 =	sne.s32 s0, $0x0;
	_ =	strace $0x90000047  }
0x83: {  	s0 =	sadd.s32 @!p0 $0x100000, s1;
	[bflag:$0x2] =	sbarrier.arrive $0xFFFF  }
0x84: {  	[sflag:s0] =	ssyncadd.tile.s32 @!p0 $0x1;
	_ =	shalt  }
.Lfunc_end2:
_tile_overlayer_lowered:
.L_overlay_start_2:
0x85: {  	(tag) =	ssettag $0x2  }
0x86: {  	s0 =	rddreg [dreg:$0x0];
	s2 =	stileid.u32  }
0x87: {  	s1 =	rddreg [dreg:$0x1];
	p0 =	sne.s32 s2, $0x0  }
0x88: {  	s3 =	rddreg [dreg:$0x2];
	[bflag:$0x3] =	sbarrier.arrive $0xFFFF;
	s2 =	simm.s32 @!p0 $0x1C02  }
0x89: {  	[timem:s3], [sflag:s2] =	dma.local @!p0 [hbm:s0], s1  }
0x8a: {  	s0 =	simm.s32 @!p0 $0x2  }
0x8b: {  	_ =	swait.ge @!p0 [sflag:s0], s1  }
0x8c: {  	s1 =	ssub.s32 @!p0 $0x0, s1;
	[sflag:s0] =	ssyncset.done @!p0 $0x0  }
0x8d: {  	[sflag:s0] =	ssyncadd.s32 @!p0 s1  }
0x8e: {  	[bflag:$0x3] =	sbarrier.arrive $0xFFFF  }
0x8f: {  	_ =	shalt  }

</sc_bundles>
